<compile_context>
chip_gen: v7x
topology: tpu7x:2x2x1
jax: 0.10.2.dev20260603
libtpu: 0.0.44.dev20260713+nightly
codegen_flags: <defaults>
</compile_context>

<pallas_src>
import functools

import jax
import jax.numpy as jnp
from jax import lax
from jax.experimental import pallas as pl
from jax.experimental.pallas import tpu as pltpu
from jax.experimental.pallas import tpu_sc as plsc

S = 384
CZ = 256
VBINS = 2 * (S - 1) + 1
VPAD = 768
APAD = 776
NTC = 368
RPS = 8
SCROWS = S - NTC
VMAX = 408


def _emb8_body(w_ref, b_ref, out_ref):
    t = w_ref[...].T + b_ref[...]
    for k in range(8):
        out_ref[k, pl.ds(k, VPAD), :] = t


def _build_emb8(w_pad, b2):
    return pl.pallas_call(
        _emb8_body,
        out_shape=jax.ShapeDtypeStruct((8, APAD, CZ), jnp.float32),
    )(w_pad, b2)


def _tc_body(emb_ref, out_ref):
    i0 = pl.program_id(0) * RPS
    for r in range(RPS):
        v = (S - 1) - (i0 + r)
        k = (8 - v % 8) % 8
        off = pl.multiple_of(v + k, 8)
        out_ref[r] = emb_ref[k, pl.ds(off, S), :]


def _tc_copy(emb_all):
    return pl.pallas_call(
        _tc_body,
        grid=(NTC // RPS,),
        in_specs=[pl.BlockSpec((8, APAD, CZ), lambda i: (0, 0, 0))],
        out_specs=pl.BlockSpec((RPS, S, CZ), lambda i: (i, 0, 0)),
        out_shape=jax.ShapeDtypeStruct((S, S, CZ), jnp.float32),
    )(emb_all)


def _make_sc_writer():
    info = plsc.get_sparse_core_info()
    nc, ns = info.num_cores, info.num_subcores
    mesh = plsc.VectorSubcoreMesh(core_axis_name="c", subcore_axis_name="s")

    @functools.partial(
        pl.kernel,
        mesh=mesh,
        out_type=(),
        scratch_types=[
            pltpu.VMEM_SHARED((8, VMAX, CZ), jnp.float32),
            pltpu.SemaphoreType.DMA,
        ],
    )
    def sc_writer(emb8_hbm, out_hbm, spmem, semd):
        cid = lax.axis_index("c")
        sid = lax.axis_index("s")
        half = sid % 2
        kcopy = sid // 2
        r0 = pl.multiple_of(half * 200, 8)
        pltpu.sync_copy(
            emb8_hbm.at[kcopy, pl.ds(r0, 208), :],
            spmem.at[kcopy, pl.ds(r0, 208), :],
        )
        plsc.subcore_barrier()
        wid = sid * nc + cid

        @pl.when(wid < SCROWS)
        def _write_row():
            i = NTC + wid
            v = (S - 1) - i
            k = (8 - lax.rem(v, 8)) % 8
            off = pl.multiple_of(v + k, 8)
            pltpu.async_copy(
                spmem.at[k, pl.ds(off, S), :], out_hbm.at[i], semd
            ).wait()

    return sc_writer


_SC_WRITER = None


def _get_sc_writer():
    global _SC_WRITER
    if _SC_WRITER is None:
        _SC_WRITER = _make_sc_writer()
    return _SC_WRITER


def kernel(seq_len, ResInd, Wp_w, Wp_b):
    sc_writer = _get_sc_writer()
    w_pad = jnp.pad(Wp_w, ((0, 0), (0, VPAD - VBINS)))
    emb8 = _build_emb8(w_pad, Wp_b.reshape(1, CZ))
    tc_out = _tc_copy(emb8)
    out_ref = jax.new_ref(tc_out)
    sc_writer(emb8, out_ref)
    return out_ref[...]

# --- scband reference (transcript-rebuilt; emitter-appended) ---
"""Pipeline reference for scband-rel-pos-89996744721177 (READ-ONLY COPY).

The authoritative reference and input builder live on the scoring server;
editing this copy changes nothing except your own understanding.
"""

import jax, jax.numpy as jnp
import numpy as np

SEQ_LEN = 384
CZ = 256
VBINS = 2 * (SEQ_LEN - 1) + 1  # 767


def setup_inputs(seed: int = 0) -> dict:
    key = jax.random.key(seed)
    k1, k2 = jax.random.split(key)
    # Relative-position index table (buffer, int)
    a = jnp.arange(SEQ_LEN)
    ResInd = (a[None, :] - a[:, None]) + (SEQ_LEN - 1)  # [S, S] in [0, VBINS)
    ResInd = ResInd.astype(jnp.int32)
    # nn.Linear(vbins, cz): weight [cz, vbins], bias [cz]
    bound = 1.0 / np.sqrt(VBINS)
    Wp_w = jax.random.uniform(k1, (CZ, VBINS), dtype=jnp.float32, minval=-bound, maxval=bound)
    Wp_b = jax.random.uniform(k2, (CZ,), dtype=jnp.float32, minval=-bound, maxval=bound)
    return {"seq_len": 384, "ResInd": ResInd, "Wp_w": Wp_w, "Wp_b": Wp_b}


def reference(seq_len, ResInd, Wp_w, Wp_b):
    # RI = self.ResInd[:seq_len, :seq_len]
    S = ResInd.shape[0]
    start = seq_len - S
    RI = jax.lax.dynamic_slice(ResInd, (start, start), (S, S))
    # pij = self.Wp(F.one_hot(RI, self.vbins).float())
    oh = jax.nn.one_hot(RI, VBINS, dtype=jnp.float32)  # [S, S, VBINS]
    pij = jnp.einsum('ijv,cv->ijc', oh, Wp_w) + Wp_b  # [S, S, CZ]
    return pij

if __name__ == "__main__":
    import jax
    _d = setup_inputs()
    print(jax.jit(kernel)(*tuple(_d.values())))

</pallas_src>

<mosaic_0001>
#map = affine_map<(d0, d1) -> (0, 0, 0)>
module attributes {stable_mosaic.version = 14 : i64} {
  func.func @new_body(%arg0: i32, %arg1: i32, %arg2: memref<8x776x256xf32, #tpu.memory_space<hbm>>, %arg3: memref<384x384x256xf32, #tpu.memory_space<hbm>>, %arg4: memref<384x384x256xf32, #tpu.memory_space<hbm>>, %arg5: memref<8x408x256xf32, #tpu.memory_space<vmem_shared>>, %arg6: memref<!tpu.dma_semaphore, #tpu.memory_space<semaphore_mem>>) attributes {dimension_semantics = [#tpu.dimension_semantics<core_parallel>, #tpu.dimension_semantics<subcore_parallel>], iteration_bounds = array<i64: 2, 16>, scalar_prefetch = 0 : i64, scratch_operands = 2 : i64, tpu.core_type = #tpu.core_type<sc_vector_subcore>, window_params = [{transform_indices = #map}, {transform_indices = #map}, {transform_indices = #map}]} {
    %jit3A = arith.constant 2 : i32
    %eq3A = arith.constant 0 : i32
    %eq3A_0 = arith.cmpi eq, %jit3A, %eq3A : i32
    %jit3A_1 = arith.constant 1 : i32
    %select_n3A = arith.select %eq3A_0, %jit3A_1, %jit3A : i32
    %rem3A = arith.remsi %arg1, %select_n3A : i32
    %ne3A = arith.constant 0 : i32
    %ne3A_2 = arith.cmpi ne, %rem3A, %ne3A : i32
    %lt3A = arith.constant 0 : i32
    %lt3A_3 = arith.cmpi slt, %rem3A, %lt3A : i32
    %lt3A_4 = arith.constant 0 : i32
    %lt3A_5 = arith.cmpi slt, %select_n3A, %lt3A_4 : i32
    %ne3A_6 = arith.xori %lt3A_3, %lt3A_5 : i1
    %and3A = arith.andi %ne3A_6, %ne3A_2 : i1
    %add3A = arith.addi %rem3A, %select_n3A : i32
    %select_n3A_7 = arith.select %and3A, %add3A, %rem3A : i32
    %jit3A_8 = arith.constant 2 : i32
    %div3A = arith.divsi %arg1, %jit3A_8 : i32
    %sign3A = arith.constant 0 : i32
    %sign3A_9 = arith.cmpi sgt, %arg1, %sign3A : i32
    %sign3A_10 = arith.extui %sign3A_9 : i1 to i32
    %sign3A_11 = arith.constant 0 : i32
    %sign3A_12 = arith.cmpi slt, %arg1, %sign3A_11 : i32
    %sign3A_13 = arith.extui %sign3A_12 : i1 to i32
    %sign3A_14 = arith.subi %sign3A_10, %sign3A_13 : i32
    %sign3A_15 = arith.constant 0 : i32
    %sign3A_16 = arith.cmpi sgt, %jit3A_8, %sign3A_15 : i32
    %sign3A_17 = arith.extui %sign3A_16 : i1 to i32
    %sign3A_18 = arith.constant 0 : i32
    %sign3A_19 = arith.cmpi slt, %jit3A_8, %sign3A_18 : i32
    %sign3A_20 = arith.extui %sign3A_19 : i1 to i32
    %sign3A_21 = arith.subi %sign3A_17, %sign3A_20 : i32
    %ne3A_22 = arith.cmpi ne, %sign3A_14, %sign3A_21 : i32
    %rem3A_23 = arith.remsi %arg1, %jit3A_8 : i32
    %ne3A_24 = arith.constant 0 : i32
    %ne3A_25 = arith.cmpi ne, %rem3A_23, %ne3A_24 : i32
    %and3A_26 = arith.andi %ne3A_22, %ne3A_25 : i1
    %sub3A = arith.constant 1 : i32
    %sub3A_27 = arith.subi %div3A, %sub3A : i32
    %select_n3A_28 = arith.select %and3A_26, %sub3A_27, %div3A : i32
    %mul3A = arith.constant 200 : i32
    %mul3A_29 = arith.muli %select_n3A_7, %mul3A : i32
    %multiple_of3A = tpu.assume_multiple %mul3A_29, 8 : i32
    "tpu.region"() ({
      %run_scoped3A = tpu.sem_alloc : memref<!tpu.dma_semaphore, #tpu.memory_space<semaphore_mem>>
      %dma_start3A = arith.constant 0 : i32
      %dma_start3A_36 = tpu.memref_slice %arg5[%select_n3A_28, %multiple_of3A, %dma_start3A] : memref<8x408x256xf32, #tpu.memory_space<vmem_shared>> -> memref<1x208x256xf32, #tpu.memory_space<vmem_shared>>
      %dma_start3A_37 = tpu.memref_squeeze %dma_start3A_36 : memref<1x208x256xf32, #tpu.memory_space<vmem_shared>> -> memref<208x256xf32, #tpu.memory_space<vmem_shared>>
      %dma_start3A_38 = arith.constant 0 : i32
      %dma_start3A_39 = tpu.memref_slice %arg2[%select_n3A_28, %multiple_of3A, %dma_start3A_38] : memref<8x776x256xf32, #tpu.memory_space<hbm>> -> memref<1x208x256xf32, #tpu.memory_space<hbm>>
      %dma_start3A_40 = tpu.memref_squeeze %dma_start3A_39 : memref<1x208x256xf32, #tpu.memory_space<hbm>> -> memref<208x256xf32, #tpu.memory_space<hbm>>
      tpu.enqueue_dma source(%dma_start3A_40 : memref<208x256xf32, #tpu.memory_space<hbm>>) target(%dma_start3A_37 : memref<208x256xf32, #tpu.memory_space<vmem_shared>>) target_semaphore(%run_scoped3A : memref<!tpu.dma_semaphore, #tpu.memory_space<semaphore_mem>>)
      %dma_wait3A = arith.constant 0 : i32
      %dma_wait3A_41 = tpu.memref_slice %arg5[%select_n3A_28, %multiple_of3A, %dma_wait3A] : memref<8x408x256xf32, #tpu.memory_space<vmem_shared>> -> memref<1x208x256xf32, #tpu.memory_space<vmem_shared>>
      %dma_wait3A_42 = tpu.memref_squeeze %dma_wait3A_41 : memref<1x208x256xf32, #tpu.memory_space<vmem_shared>> -> memref<208x256xf32, #tpu.memory_space<vmem_shared>>
      %dma_wait3A_43 = arith.constant 0 : i32
      %dma_wait3A_44 = tpu.memref_slice %arg2[%select_n3A_28, %multiple_of3A, %dma_wait3A_43] : memref<8x776x256xf32, #tpu.memory_space<hbm>> -> memref<1x208x256xf32, #tpu.memory_space<hbm>>
      %dma_wait3A_45 = tpu.memref_squeeze %dma_wait3A_44 : memref<1x208x256xf32, #tpu.memory_space<hbm>> -> memref<208x256xf32, #tpu.memory_space<hbm>>
      tpu.wait_dma2 semaphore(%run_scoped3A : memref<!tpu.dma_semaphore, #tpu.memory_space<semaphore_mem>>) src(%dma_wait3A_45 : memref<208x256xf32, #tpu.memory_space<hbm>>) dst(%dma_wait3A_42 : memref<208x256xf32, #tpu.memory_space<vmem_shared>>)
      tpu.yield
    }) : () -> ()
    %barrier3A = arith.constant 0 : index
    tpu.barrier barrier_id(%barrier3A)
    %mul3A_30 = arith.constant 2 : i32
    %mul3A_31 = arith.muli %arg1, %mul3A_30 : i32
    %add3A_32 = arith.addi %mul3A_31, %arg0 : i32
    %lt3A_33 = arith.constant 16 : i32
    %lt3A_34 = arith.cmpi slt, %add3A_32, %lt3A_33 : i32
    %convert_element_type3A = arith.extui %lt3A_34 : i1 to i32
    %cond3A = arith.constant 0 : i32
    %cond3A_35 = arith.cmpi ne, %convert_element_type3A, %cond3A : i32
    scf.if %cond3A_35 {
      %add3A_36 = arith.constant 368 : i32
      %add3A_37 = arith.addi %add3A_36, %add3A_32 : i32
      %sub3A_38 = arith.constant 383 : i32
      %sub3A_39 = arith.subi %sub3A_38, %add3A_37 : i32
      %rem3A_40 = arith.constant 8 : i32
      %rem3A_41 = arith.remsi %sub3A_39, %rem3A_40 : i32
      %sub3A_42 = arith.constant 8 : i32
      %sub3A_43 = arith.subi %sub3A_42, %rem3A_41 : i32
      %jit3A_44 = arith.constant 8 : i32
      %eq3A_45 = arith.constant 0 : i32
      %eq3A_46 = arith.cmpi eq, %jit3A_44, %eq3A_45 : i32
      %jit3A_47 = arith.constant 1 : i32
      %select_n3A_48 = arith.select %eq3A_46, %jit3A_47, %jit3A_44 : i32
      %rem3A_49 = arith.remsi %sub3A_43, %select_n3A_48 : i32
      %ne3A_50 = arith.constant 0 : i32
      %ne3A_51 = arith.cmpi ne, %rem3A_49, %ne3A_50 : i32
      %lt3A_52 = arith.constant 0 : i32
      %lt3A_53 = arith.cmpi slt, %rem3A_49, %lt3A_52 : i32
      %lt3A_54 = arith.constant 0 : i32
      %lt3A_55 = arith.cmpi slt, %select_n3A_48, %lt3A_54 : i32
      %ne3A_56 = arith.xori %lt3A_53, %lt3A_55 : i1
      %and3A_57 = arith.andi %ne3A_56, %ne3A_51 : i1
      %add3A_58 = arith.addi %rem3A_49, %select_n3A_48 : i32
      %select_n3A_59 = arith.select %and3A_57, %add3A_58, %rem3A_49 : i32
      %add3A_60 = arith.addi %sub3A_39, %select_n3A_59 : i32
      %multiple_of3A_61 = tpu.assume_multiple %add3A_60, 8 : i32
      %dma_start3A = arith.constant 0 : i32
      %dma_start3A_62 = arith.constant 0 : i32
      %dma_start3A_63 = tpu.memref_slice %arg3[%add3A_37, %dma_start3A, %dma_start3A_62] : memref<384x384x256xf32, #tpu.memory_space<hbm>> -> memref<1x384x256xf32, #tpu.memory_space<hbm>>
      %dma_start3A_64 = tpu.memref_squeeze %dma_start3A_63 : memref<1x384x256xf32, #tpu.memory_space<hbm>> -> memref<384x256xf32, #tpu.memory_space<hbm>>
      %dma_start3A_65 = arith.constant 0 : i32
      %dma_start3A_66 = tpu.memref_slice %arg5[%select_n3A_59, %multiple_of3A_61, %dma_start3A_65] : memref<8x408x256xf32, #tpu.memory_space<vmem_shared>> -> memref<1x384x256xf32, #tpu.memory_space<vmem_shared>>
      %dma_start3A_67 = tpu.memref_squeeze %dma_start3A_66 : memref<1x384x256xf32, #tpu.memory_space<vmem_shared>> -> memref<384x256xf32, #tpu.memory_space<vmem_shared>>
      tpu.enqueue_dma source(%dma_start3A_67 : memref<384x256xf32, #tpu.memory_space<vmem_shared>>) target(%dma_start3A_64 : memref<384x256xf32, #tpu.memory_space<hbm>>) target_semaphore(%arg6 : memref<!tpu.dma_semaphore, #tpu.memory_space<semaphore_mem>>)
      %dma_wait3A = arith.constant 0 : i32
      %dma_wait3A_68 = arith.constant 0 : i32
      %dma_wait3A_69 = tpu.memref_slice %arg3[%add3A_37, %dma_wait3A, %dma_wait3A_68] : memref<384x384x256xf32, #tpu.memory_space<hbm>> -> memref<1x384x256xf32, #tpu.memory_space<hbm>>
      %dma_wait3A_70 = tpu.memref_squeeze %dma_wait3A_69 : memref<1x384x256xf32, #tpu.memory_space<hbm>> -> memref<384x256xf32, #tpu.memory_space<hbm>>
      %dma_wait3A_71 = arith.constant 0 : i32
      %dma_wait3A_72 = tpu.memref_slice %arg5[%select_n3A_59, %multiple_of3A_61, %dma_wait3A_71] : memref<8x408x256xf32, #tpu.memory_space<vmem_shared>> -> memref<1x384x256xf32, #tpu.memory_space<vmem_shared>>
      %dma_wait3A_73 = tpu.memref_squeeze %dma_wait3A_72 : memref<1x384x256xf32, #tpu.memory_space<vmem_shared>> -> memref<384x256xf32, #tpu.memory_space<vmem_shared>>
      tpu.wait_dma2 semaphore(%arg6 : memref<!tpu.dma_semaphore, #tpu.memory_space<semaphore_mem>>) src(%dma_wait3A_73 : memref<384x256xf32, #tpu.memory_space<vmem_shared>>) dst(%dma_wait3A_70 : memref<384x256xf32, #tpu.memory_space<hbm>>)
    } else {
    }
    return
  }
}

module attributes {stable_mosaic.version = 14 : i64} {
  func.func @_emb8_body(%arg0: memref<256x768xf32, #tpu.memory_space<vmem>>, %arg1: memref<1x256xf32, #tpu.memory_space<vmem>>, %arg2: memref<8x776x256xf32, #tpu.memory_space<vmem>>) attributes {dimension_semantics = [], scalar_prefetch = 0 : i64, scratch_operands = 0 : i64, tpu.core_type = #tpu.core_type<tc>} {
    %get3A = arith.constant 0 : index
    %get3A_0 = arith.constant 0 : index
    %get3A_1 = vector.load %arg0[%get3A, %get3A_0] : memref<256x768xf32, #tpu.memory_space<vmem>>, vector<256x768xf32>
    %transpose3A = tpu.transpose %get3A_1, [1, 0] : vector<256x768xf32> -> vector<768x256xf32>
    %get3A_2 = arith.constant 0 : index
    %get3A_3 = arith.constant 0 : index
    %get3A_4 = vector.load %arg1[%get3A_2, %get3A_3] : memref<1x256xf32, #tpu.memory_space<vmem>>, vector<1x256xf32>
    %add3A = vector.broadcast %get3A_4 : vector<1x256xf32> to vector<768x256xf32>
    %add3A_5 = arith.addf %transpose3A, %add3A : vector<768x256xf32>
    %swap3A = arith.constant 0 : index
    %swap3A_6 = arith.constant 0 : index
    %swap3A_7 = arith.constant 0 : index
    %swap3A_8 = vector.load %arg2[%swap3A, %swap3A_6, %swap3A_7] : memref<8x776x256xf32, #tpu.memory_space<vmem>>, vector<1x768x256xf32>
    %swap3A_9 = vector.shape_cast %swap3A_8 : vector<1x768x256xf32> to vector<768x256xf32>
    %swap3A_10 = vector.shape_cast %add3A_5 : vector<768x256xf32> to vector<1x768x256xf32>
    tpu.vector_store %arg2[%swap3A, %swap3A_6, %swap3A_7], %swap3A_10 {strides = array<i32>} : memref<8x776x256xf32, #tpu.memory_space<vmem>>, vector<1x768x256xf32>,
    %swap3A_11 = arith.constant 1 : index
    %swap3A_12 = arith.constant 1 : index
    %swap3A_13 = arith.constant 0 : index
    %swap3A_14 = vector.load %arg2[%swap3A_11, %swap3A_12, %swap3A_13] : memref<8x776x256xf32, #tpu.memory_space<vmem>>, vector<1x768x256xf32>
    %swap3A_15 = vector.shape_cast %swap3A_14 : vector<1x768x256xf32> to vector<768x256xf32>
    %swap3A_16 = vector.shape_cast %add3A_5 : vector<768x256xf32> to vector<1x768x256xf32>
    tpu.vector_store %arg2[%swap3A_11, %swap3A_12, %swap3A_13], %swap3A_16 {strides = array<i32>} : memref<8x776x256xf32, #tpu.memory_space<vmem>>, vector<1x768x256xf32>,
    %swap3A_17 = arith.constant 2 : index
    %swap3A_18 = arith.constant 2 : index
    %swap3A_19 = arith.constant 0 : index
    %swap3A_20 = vector.load %arg2[%swap3A_17, %swap3A_18, %swap3A_19] : memref<8x776x256xf32, #tpu.memory_space<vmem>>, vector<1x768x256xf32>
    %swap3A_21 = vector.shape_cast %swap3A_20 : vector<1x768x256xf32> to vector<768x256xf32>
    %swap3A_22 = vector.shape_cast %add3A_5 : vector<768x256xf32> to vector<1x768x256xf32>
    tpu.vector_store %arg2[%swap3A_17, %swap3A_18, %swap3A_19], %swap3A_22 {strides = array<i32>} : memref<8x776x256xf32, #tpu.memory_space<vmem>>, vector<1x768x256xf32>,
    %swap3A_23 = arith.constant 3 : index
    %swap3A_24 = arith.constant 3 : index
    %swap3A_25 = arith.constant 0 : index
    %swap3A_26 = vector.load %arg2[%swap3A_23, %swap3A_24, %swap3A_25] : memref<8x776x256xf32, #tpu.memory_space<vmem>>, vector<1x768x256xf32>
    %swap3A_27 = vector.shape_cast %swap3A_26 : vector<1x768x256xf32> to vector<768x256xf32>
    %swap3A_28 = vector.shape_cast %add3A_5 : vector<768x256xf32> to vector<1x768x256xf32>
    tpu.vector_store %arg2[%swap3A_23, %swap3A_24, %swap3A_25], %swap3A_28 {strides = array<i32>} : memref<8x776x256xf32, #tpu.memory_space<vmem>>, vector<1x768x256xf32>,
    %swap3A_29 = arith.constant 4 : index
    %swap3A_30 = arith.constant 4 : index
    %swap3A_31 = arith.constant 0 : index
    %swap3A_32 = vector.load %arg2[%swap3A_29, %swap3A_30, %swap3A_31] : memref<8x776x256xf32, #tpu.memory_space<vmem>>, vector<1x768x256xf32>
    %swap3A_33 = vector.shape_cast %swap3A_32 : vector<1x768x256xf32> to vector<768x256xf32>
    %swap3A_34 = vector.shape_cast %add3A_5 : vector<768x256xf32> to vector<1x768x256xf32>
    tpu.vector_store %arg2[%swap3A_29, %swap3A_30, %swap3A_31], %swap3A_34 {strides = array<i32>} : memref<8x776x256xf32, #tpu.memory_space<vmem>>, vector<1x768x256xf32>,
    %swap3A_35 = arith.constant 5 : index
    %swap3A_36 = arith.constant 5 : index
    %swap3A_37 = arith.constant 0 : index
    %swap3A_38 = vector.load %arg2[%swap3A_35, %swap3A_36, %swap3A_37] : memref<8x776x256xf32, #tpu.memory_space<vmem>>, vector<1x768x256xf32>
    %swap3A_39 = vector.shape_cast %swap3A_38 : vector<1x768x256xf32> to vector<768x256xf32>
    %swap3A_40 = vector.shape_cast %add3A_5 : vector<768x256xf32> to vector<1x768x256xf32>
    tpu.vector_store %arg2[%swap3A_35, %swap3A_36, %swap3A_37], %swap3A_40 {strides = array<i32>} : memref<8x776x256xf32, #tpu.memory_space<vmem>>, vector<1x768x256xf32>,
    %swap3A_41 = arith.constant 6 : index
    %swap3A_42 = arith.constant 6 : index
    %swap3A_43 = arith.constant 0 : index
    %swap3A_44 = vector.load %arg2[%swap3A_41, %swap3A_42, %swap3A_43] : memref<8x776x256xf32, #tpu.memory_space<vmem>>, vector<1x768x256xf32>
    %swap3A_45 = vector.shape_cast %swap3A_44 : vector<1x768x256xf32> to vector<768x256xf32>
    %swap3A_46 = vector.shape_cast %add3A_5 : vector<768x256xf32> to vector<1x768x256xf32>
    tpu.vector_store %arg2[%swap3A_41, %swap3A_42, %swap3A_43], %swap3A_46 {strides = array<i32>} : memref<8x776x256xf32, #tpu.memory_space<vmem>>, vector<1x768x256xf32>,
    %swap3A_47 = arith.constant 7 : index
    %swap3A_48 = arith.constant 7 : index
    %swap3A_49 = arith.constant 0 : index
    %swap3A_50 = vector.load %arg2[%swap3A_47, %swap3A_48, %swap3A_49] : memref<8x776x256xf32, #tpu.memory_space<vmem>>, vector<1x768x256xf32>
    %swap3A_51 = vector.shape_cast %swap3A_50 : vector<1x768x256xf32> to vector<768x256xf32>
    %swap3A_52 = vector.shape_cast %add3A_5 : vector<768x256xf32> to vector<1x768x256xf32>
    tpu.vector_store %arg2[%swap3A_47, %swap3A_48, %swap3A_49], %swap3A_52 {strides = array<i32>} : memref<8x776x256xf32, #tpu.memory_space<vmem>>, vector<1x768x256xf32>,
    return
  }
}

module attributes {stable_mosaic.version = 14 : i64} {
  func.func @_tc_body(%arg0: i32, %arg1: memref<8x776x256xf32, #tpu.memory_space<vmem>>, %arg2: memref<8x384x256xf32, #tpu.memory_space<vmem>>) attributes {dimension_semantics = [#tpu.dimension_semantics<arbitrary>], iteration_bounds = array<i64: 46>, scalar_prefetch = 0 : i64, scratch_operands = 0 : i64, tpu.core_type = #tpu.core_type<tc>, window_params = [{pipeline_mode = #tpu.pipeline_mode<synchronous>, transform_indices = @transform_0, window_bounds = array<i64: 8, 776, 256>}, {transform_indices = @transform_1, window_bounds = array<i64: 8, 384, 256>}]} {
    %mul3A = arith.constant 8 : i32
    %mul3A_0 = arith.muli %arg0, %mul3A : i32
    %add3A = arith.constant 0 : i32
    %add3A_1 = arith.addi %mul3A_0, %add3A : i32
    %sub3A = arith.constant 383 : i32
    %sub3A_2 = arith.subi %sub3A, %add3A_1 : i32
    %jit3A = arith.constant 8 : i32
    %eq3A = arith.constant 0 : i32
    %eq3A_3 = arith.cmpi eq, %jit3A, %eq3A : i32
    %jit3A_4 = arith.constant 1 : i32
    %select_n3A = arith.select %eq3A_3, %jit3A_4, %jit3A : i32
    %rem3A = arith.remsi %sub3A_2, %select_n3A : i32
    %ne3A = arith.constant 0 : i32
    %ne3A_5 = arith.cmpi ne, %rem3A, %ne3A : i32
    %lt3A = arith.constant 0 : i32
    %lt3A_6 = arith.cmpi slt, %rem3A, %lt3A : i32
    %lt3A_7 = arith.constant 0 : i32
    %lt3A_8 = arith.cmpi slt, %select_n3A, %lt3A_7 : i32
    %ne3A_9 = arith.xori %lt3A_6, %lt3A_8 : i1
    %and3A = arith.andi %ne3A_9, %ne3A_5 : i1
    %add3A_10 = arith.addi %rem3A, %select_n3A : i32
    %select_n3A_11 = arith.select %and3A, %add3A_10, %rem3A : i32
    %sub3A_12 = arith.constant 8 : i32
    %sub3A_13 = arith.subi %sub3A_12, %select_n3A_11 : i32
    %jit3A_14 = arith.constant 8 : i32
    %eq3A_15 = arith.constant 0 : i32
    %eq3A_16 = arith.cmpi eq, %jit3A_14, %eq3A_15 : i32
    %jit3A_17 = arith.constant 1 : i32
    %select_n3A_18 = arith.select %eq3A_16, %jit3A_17, %jit3A_14 : i32
    %rem3A_19 = arith.remsi %sub3A_13, %select_n3A_18 : i32
    %ne3A_20 = arith.constant 0 : i32
    %ne3A_21 = arith.cmpi ne, %rem3A_19, %ne3A_20 : i32
    %lt3A_22 = arith.constant 0 : i32
    %lt3A_23 = arith.cmpi slt, %rem3A_19, %lt3A_22 : i32
    %lt3A_24 = arith.constant 0 : i32
    %lt3A_25 = arith.cmpi slt, %select_n3A_18, %lt3A_24 : i32
    %ne3A_26 = arith.xori %lt3A_23, %lt3A_25 : i1
    %and3A_27 = arith.andi %ne3A_26, %ne3A_21 : i1
    %add3A_28 = arith.addi %rem3A_19, %select_n3A_18 : i32
    %select_n3A_29 = arith.select %and3A_27, %add3A_28, %rem3A_19 : i32
    %add3A_30 = arith.addi %sub3A_2, %select_n3A_29 : i32
    %multiple_of3A = tpu.assume_multiple %add3A_30, 8 : i32
    %get3A = arith.index_cast %select_n3A_29 : i32 to index
    %get3A_31 = arith.index_cast %multiple_of3A : i32 to index
    %get3A_32 = arith.constant 0 : index
    %get3A_33 = vector.load %arg1[%get3A, %get3A_31, %get3A_32] : memref<8x776x256xf32, #tpu.memory_space<vmem>>, vector<1x384x256xf32>
    %get3A_34 = vector.shape_cast %get3A_33 : vector<1x384x256xf32> to vector<384x256xf32>
    %swap3A = arith.constant 0 : index
    %swap3A_35 = arith.constant 0 : index
    %swap3A_36 = arith.constant 0 : index
    %swap3A_37 = vector.load %arg2[%swap3A, %swap3A_35, %swap3A_36] : memref<8x384x256xf32, #tpu.memory_space<vmem>>, vector<1x384x256xf32>
    %swap3A_38 = vector.shape_cast %swap3A_37 : vector<1x384x256xf32> to vector<384x256xf32>
    %swap3A_39 = vector.shape_cast %get3A_34 : vector<384x256xf32> to vector<1x384x256xf32>
    tpu.vector_store %arg2[%swap3A, %swap3A_35, %swap3A_36], %swap3A_39 {strides = array<i32>} : memref<8x384x256xf32, #tpu.memory_space<vmem>>, vector<1x384x256xf32>,
    %add3A_40 = arith.constant 1 : i32
    %add3A_41 = arith.addi %mul3A_0, %add3A_40 : i32
    %sub3A_42 = arith.constant 383 : i32
    %sub3A_43 = arith.subi %sub3A_42, %add3A_41 : i32
    %jit3A_44 = arith.constant 8 : i32
    %eq3A_45 = arith.constant 0 : i32
    %eq3A_46 = arith.cmpi eq, %jit3A_44, %eq3A_45 : i32
    %jit3A_47 = arith.constant 1 : i32
    %select_n3A_48 = arith.select %eq3A_46, %jit3A_47, %jit3A_44 : i32
    %rem3A_49 = arith.remsi %sub3A_43, %select_n3A_48 : i32
    %ne3A_50 = arith.constant 0 : i32
    %ne3A_51 = arith.cmpi ne, %rem3A_49, %ne3A_50 : i32
    %lt3A_52 = arith.constant 0 : i32
    %lt3A_53 = arith.cmpi slt, %rem3A_49, %lt3A_52 : i32
    %lt3A_54 = arith.constant 0 : i32
    %lt3A_55 = arith.cmpi slt, %select_n3A_48, %lt3A_54 : i32
    %ne3A_56 = arith.xori %lt3A_53, %lt3A_55 : i1
    %and3A_57 = arith.andi %ne3A_56, %ne3A_51 : i1
    %add3A_58 = arith.addi %rem3A_49, %select_n3A_48 : i32
    %select_n3A_59 = arith.select %and3A_57, %add3A_58, %rem3A_49 : i32
    %sub3A_60 = arith.constant 8 : i32
    %sub3A_61 = arith.subi %sub3A_60, %select_n3A_59 : i32
    %jit3A_62 = arith.constant 8 : i32
    %eq3A_63 = arith.constant 0 : i32
    %eq3A_64 = arith.cmpi eq, %jit3A_62, %eq3A_63 : i32
    %jit3A_65 = arith.constant 1 : i32
    %select_n3A_66 = arith.select %eq3A_64, %jit3A_65, %jit3A_62 : i32
    %rem3A_67 = arith.remsi %sub3A_61, %select_n3A_66 : i32
    %ne3A_68 = arith.constant 0 : i32
    %ne3A_69 = arith.cmpi ne, %rem3A_67, %ne3A_68 : i32
    %lt3A_70 = arith.constant 0 : i32
    %lt3A_71 = arith.cmpi slt, %rem3A_67, %lt3A_70 : i32
    %lt3A_72 = arith.constant 0 : i32
    %lt3A_73 = arith.cmpi slt, %select_n3A_66, %lt3A_72 : i32
    %ne3A_74 = arith.xori %lt3A_71, %lt3A_73 : i1
    %and3A_75 = arith.andi %ne3A_74, %ne3A_69 : i1
    %add3A_76 = arith.addi %rem3A_67, %select_n3A_66 : i32
    %select_n3A_77 = arith.select %and3A_75, %add3A_76, %rem3A_67 : i32
    %add3A_78 = arith.addi %sub3A_43, %select_n3A_77 : i32
    %multiple_of3A_79 = tpu.assume_multiple %add3A_78, 8 : i32
    %get3A_80 = arith.index_cast %select_n3A_77 : i32 to index
    %get3A_81 = arith.index_cast %multiple_of3A_79 : i32 to index
    %get3A_82 = arith.constant 0 : index
    %get3A_83 = vector.load %arg1[%get3A_80, %get3A_81, %get3A_82] : memref<8x776x256xf32, #tpu.memory_space<vmem>>, vector<1x384x256xf32>
    %get3A_84 = vector.shape_cast %get3A_83 : vector<1x384x256xf32> to vector<384x256xf32>
    %swap3A_85 = arith.constant 1 : index
    %swap3A_86 = arith.constant 0 : index
    %swap3A_87 = arith.constant 0 : index
    %swap3A_88 = vector.load %arg2[%swap3A_85, %swap3A_86, %swap3A_87] : memref<8x384x256xf32, #tpu.memory_space<vmem>>, vector<1x384x256xf32>
    %swap3A_89 = vector.shape_cast %swap3A_88 : vector<1x384x256xf32> to vector<384x256xf32>
    %swap3A_90 = vector.shape_cast %get3A_84 : vector<384x256xf32> to vector<1x384x256xf32>
    tpu.vector_store %arg2[%swap3A_85, %swap3A_86, %swap3A_87], %swap3A_90 {strides = array<i32>} : memref<8x384x256xf32, #tpu.memory_space<vmem>>, vector<1x384x256xf32>,
    %add3A_91 = arith.constant 2 : i32
    %add3A_92 = arith.addi %mul3A_0, %add3A_91 : i32
    %sub3A_93 = arith.constant 383 : i32
    %sub3A_94 = arith.subi %sub3A_93, %add3A_92 : i32
    %jit3A_95 = arith.constant 8 : i32
    %eq3A_96 = arith.constant 0 : i32
    %eq3A_97 = arith.cmpi eq, %jit3A_95, %eq3A_96 : i32
    %jit3A_98 = arith.constant 1 : i32
    %select_n3A_99 = arith.select %eq3A_97, %jit3A_98, %jit3A_95 : i32
    %rem3A_100 = arith.remsi %sub3A_94, %select_n3A_99 : i32
    %ne3A_101 = arith.constant 0 : i32
    %ne3A_102 = arith.cmpi ne, %rem3A_100, %ne3A_101 : i32
    %lt3A_103 = arith.constant 0 : i32
    %lt3A_104 = arith.cmpi slt, %rem3A_100, %lt3A_103 : i32
    %lt3A_105 = arith.constant 0 : i32
    %lt3A_106 = arith.cmpi slt, %select_n3A_99, %lt3A_105 : i32
    %ne3A_107 = arith.xori %lt3A_104, %lt3A_106 : i1
    %and3A_108 = arith.andi %ne3A_107, %ne3A_102 : i1
    %add3A_109 = arith.addi %rem3A_100, %select_n3A_99 : i32
    %select_n3A_110 = arith.select %and3A_108, %add3A_109, %rem3A_100 : i32
    %sub3A_111 = arith.constant 8 : i32
    %sub3A_112 = arith.subi %sub3A_111, %select_n3A_110 : i32
    %jit3A_113 = arith.constant 8 : i32
    %eq3A_114 = arith.constant 0 : i32
    %eq3A_115 = arith.cmpi eq, %jit3A_113, %eq3A_114 : i32
    %jit3A_116 = arith.constant 1 : i32
    %select_n3A_117 = arith.select %eq3A_115, %jit3A_116, %jit3A_113 : i32
    %rem3A_118 = arith.remsi %sub3A_112, %select_n3A_117 : i32
    %ne3A_119 = arith.constant 0 : i32
    %ne3A_120 = arith.cmpi ne, %rem3A_118, %ne3A_119 : i32
    %lt3A_121 = arith.constant 0 : i32
    %lt3A_122 = arith.cmpi slt, %rem3A_118, %lt3A_121 : i32
    %lt3A_123 = arith.constant 0 : i32
    %lt3A_124 = arith.cmpi slt, %select_n3A_117, %lt3A_123 : i32
    %ne3A_125 = arith.xori %lt3A_122, %lt3A_124 : i1
    %and3A_126 = arith.andi %ne3A_125, %ne3A_120 : i1
    %add3A_127 = arith.addi %rem3A_118, %select_n3A_117 : i32
    %select_n3A_128 = arith.select %and3A_126, %add3A_127, %rem3A_118 : i32
    %add3A_129 = arith.addi %sub3A_94, %select_n3A_128 : i32
    %multiple_of3A_130 = tpu.assume_multiple %add3A_129, 8 : i32
    %get3A_131 = arith.index_cast %select_n3A_128 : i32 to index
    %get3A_132 = arith.index_cast %multiple_of3A_130 : i32 to index
    %get3A_133 = arith.constant 0 : index
    %get3A_134 = vector.load %arg1[%get3A_131, %get3A_132, %get3A_133] : memref<8x776x256xf32, #tpu.memory_space<vmem>>, vector<1x384x256xf32>
    %get3A_135 = vector.shape_cast %get3A_134 : vector<1x384x256xf32> to vector<384x256xf32>
    %swap3A_136 = arith.constant 2 : index
    %swap3A_137 = arith.constant 0 : index
    %swap3A_138 = arith.constant 0 : index
    %swap3A_139 = vector.load %arg2[%swap3A_136, %swap3A_137, %swap3A_138] : memref<8x384x256xf32, #tpu.memory_space<vmem>>, vector<1x384x256xf32>
    %swap3A_140 = vector.shape_cast %swap3A_139 : vector<1x384x256xf32> to vector<384x256xf32>
    %swap3A_141 = vector.shape_cast %get3A_135 : vector<384x256xf32> to vector<1x384x256xf32>
    tpu.vector_store %arg2[%swap3A_136, %swap3A_137, %swap3A_138], %swap3A_141 {strides = array<i32>} : memref<8x384x256xf32, #tpu.memory_space<vmem>>, vector<1x384x256xf32>,
    %add3A_142 = arith.constant 3 : i32
    %add3A_143 = arith.addi %mul3A_0, %add3A_142 : i32
    %sub3A_144 = arith.constant 383 : i32
    %sub3A_145 = arith.subi %sub3A_144, %add3A_143 : i32
    %jit3A_146 = arith.constant 8 : i32
    %eq3A_147 = arith.constant 0 : i32
    %eq3A_148 = arith.cmpi eq, %jit3A_146, %eq3A_147 : i32
    %jit3A_149 = arith.constant 1 : i32
    %select_n3A_150 = arith.select %eq3A_148, %jit3A_149, %jit3A_146 : i32
    %rem3A_151 = arith.remsi %sub3A_145, %select_n3A_150 : i32
    %ne3A_152 = arith.constant 0 : i32
    %ne3A_153 = arith.cmpi ne, %rem3A_151, %ne3A_152 : i32
    %lt3A_154 = arith.constant 0 : i32
    %lt3A_155 = arith.cmpi slt, %rem3A_151, %lt3A_154 : i32
    %lt3A_156 = arith.constant 0 : i32
    %lt3A_157 = arith.cmpi slt, %select_n3A_150, %lt3A_156 : i32
    %ne3A_158 = arith.xori %lt3A_155, %lt3A_157 : i1
    %and3A_159 = arith.andi %ne3A_158, %ne3A_153 : i1
    %add3A_160 = arith.addi %rem3A_151, %select_n3A_150 : i32
    %select_n3A_161 = arith.select %and3A_159, %add3A_160, %rem3A_151 : i32
    %sub3A_162 = arith.constant 8 : i32
    %sub3A_163 = arith.subi %sub3A_162, %select_n3A_161 : i32
    %jit3A_164 = arith.constant 8 : i32
    %eq3A_165 = arith.constant 0 : i32
    %eq3A_166 = arith.cmpi eq, %jit3A_164, %eq3A_165 : i32
    %jit3A_167 = arith.constant 1 : i32
    %select_n3A_168 = arith.select %eq3A_166, %jit3A_167, %jit3A_164 : i32
    %rem3A_169 = arith.remsi %sub3A_163, %select_n3A_168 : i32
    %ne3A_170 = arith.constant 0 : i32
    %ne3A_171 = arith.cmpi ne, %rem3A_169, %ne3A_170 : i32
    %lt3A_172 = arith.constant 0 : i32
    %lt3A_173 = arith.cmpi slt, %rem3A_169, %lt3A_172 : i32
    %lt3A_174 = arith.constant 0 : i32
    %lt3A_175 = arith.cmpi slt, %select_n3A_168, %lt3A_174 : i32
    %ne3A_176 = arith.xori %lt3A_173, %lt3A_175 : i1
    %and3A_177 = arith.andi %ne3A_176, %ne3A_171 : i1
    %add3A_178 = arith.addi %rem3A_169, %select_n3A_168 : i32
    %select_n3A_179 = arith.select %and3A_177, %add3A_178, %rem3A_169 : i32
    %add3A_180 = arith.addi %sub3A_145, %select_n3A_179 : i32
    %multiple_of3A_181 = tpu.assume_multiple %add3A_180, 8 : i32
    %get3A_182 = arith.index_cast %select_n3A_179 : i32 to index
    %get3A_183 = arith.index_cast %multiple_of3A_181 : i32 to index
    %get3A_184 = arith.constant 0 : index
    %get3A_185 = vector.load %arg1[%get3A_182, %get3A_183, %get3A_184] : memref<8x776x256xf32, #tpu.memory_space<vmem>>, vector<1x384x256xf32>
    %get3A_186 = vector.shape_cast %get3A_185 : vector<1x384x256xf32> to vector<384x256xf32>
    %swap3A_187 = arith.constant 3 : index
    %swap3A_188 = arith.constant 0 : index
    %swap3A_189 = arith.constant 0 : index
    %swap3A_190 = vector.load %arg2[%swap3A_187, %swap3A_188, %swap3A_189] : memref<8x384x256xf32, #tpu.memory_space<vmem>>, vector<1x384x256xf32>
    %swap3A_191 = vector.shape_cast %swap3A_190 : vector<1x384x256xf32> to vector<384x256xf32>
    %swap3A_192 = vector.shape_cast %get3A_186 : vector<384x256xf32> to vector<1x384x256xf32>
    tpu.vector_store %arg2[%swap3A_187, %swap3A_188, %swap3A_189], %swap3A_192 {strides = array<i32>} : memref<8x384x256xf32, #tpu.memory_space<vmem>>, vector<1x384x256xf32>,
    %add3A_193 = arith.constant 4 : i32
    %add3A_194 = arith.addi %mul3A_0, %add3A_193 : i32
    %sub3A_195 = arith.constant 383 : i32
    %sub3A_196 = arith.subi %sub3A_195, %add3A_194 : i32
    %jit3A_197 = arith.constant 8 : i32
    %eq3A_198 = arith.constant 0 : i32
    %eq3A_199 = arith.cmpi eq, %jit3A_197, %eq3A_198 : i32
    %jit3A_200 = arith.constant 1 : i32
    %select_n3A_201 = arith.select %eq3A_199, %jit3A_200, %jit3A_197 : i32
    %rem3A_202 = arith.remsi %sub3A_196, %select_n3A_201 : i32
    %ne3A_203 = arith.constant 0 : i32
    %ne3A_204 = arith.cmpi ne, %rem3A_202, %ne3A_203 : i32
    %lt3A_205 = arith.constant 0 : i32
    %lt3A_206 = arith.cmpi slt, %rem3A_202, %lt3A_205 : i32
    %lt3A_207 = arith.constant 0 : i32
    %lt3A_208 = arith.cmpi slt, %select_n3A_201, %lt3A_207 : i32
    %ne3A_209 = arith.xori %lt3A_206, %lt3A_208 : i1
    %and3A_210 = arith.andi %ne3A_209, %ne3A_204 : i1
    %add3A_211 = arith.addi %rem3A_202, %select_n3A_201 : i32
    %select_n3A_212 = arith.select %and3A_210, %add3A_211, %rem3A_202 : i32
    %sub3A_213 = arith.constant 8 : i32
    %sub3A_214 = arith.subi %sub3A_213, %select_n3A_212 : i32
    %jit3A_215 = arith.constant 8 : i32
    %eq3A_216 = arith.constant 0 : i32
    %eq3A_217 = arith.cmpi eq, %jit3A_215, %eq3A_216 : i32
    %jit3A_218 = arith.constant 1 : i32
    %select_n3A_219 = arith.select %eq3A_217, %jit3A_218, %jit3A_215 : i32
    %rem3A_220 = arith.remsi %sub3A_214, %select_n3A_219 : i32
    %ne3A_221 = arith.constant 0 : i32
    %ne3A_222 = arith.cmpi ne, %rem3A_220, %ne3A_221 : i32
    %lt3A_223 = arith.constant 0 : i32
    %lt3A_224 = arith.cmpi slt, %rem3A_220, %lt3A_223 : i32
    %lt3A_225 = arith.constant 0 : i32
    %lt3A_226 = arith.cmpi slt, %select_n3A_219, %lt3A_225 : i32
    %ne3A_227 = arith.xori %lt3A_224, %lt3A_226 : i1
    %and3A_228 = arith.andi %ne3A_227, %ne3A_222 : i1
    %add3A_229 = arith.addi %rem3A_220, %select_n3A_219 : i32
    %select_n3A_230 = arith.select %and3A_228, %add3A_229, %rem3A_220 : i32
    %add3A_231 = arith.addi %sub3A_196, %select_n3A_230 : i32
    %multiple_of3A_232 = tpu.assume_multiple %add3A_231, 8 : i32
    %get3A_233 = arith.index_cast %select_n3A_230 : i32 to index
    %get3A_234 = arith.index_cast %multiple_of3A_232 : i32 to index
    %get3A_235 = arith.constant 0 : index
    %get3A_236 = vector.load %arg1[%get3A_233, %get3A_234, %get3A_235] : memref<8x776x256xf32, #tpu.memory_space<vmem>>, vector<1x384x256xf32>
    %get3A_237 = vector.shape_cast %get3A_236 : vector<1x384x256xf32> to vector<384x256xf32>
    %swap3A_238 = arith.constant 4 : index
    %swap3A_239 = arith.constant 0 : index
    %swap3A_240 = arith.constant 0 : index
    %swap3A_241 = vector.load %arg2[%swap3A_238, %swap3A_239, %swap3A_240] : memref<8x384x256xf32, #tpu.memory_space<vmem>>, vector<1x384x256xf32>
    %swap3A_242 = vector.shape_cast %swap3A_241 : vector<1x384x256xf32> to vector<384x256xf32>
    %swap3A_243 = vector.shape_cast %get3A_237 : vector<384x256xf32> to vector<1x384x256xf32>
    tpu.vector_store %arg2[%swap3A_238, %swap3A_239, %swap3A_240], %swap3A_243 {strides = array<i32>} : memref<8x384x256xf32, #tpu.memory_space<vmem>>, vector<1x384x256xf32>,
    %add3A_244 = arith.constant 5 : i32
    %add3A_245 = arith.addi %mul3A_0, %add3A_244 : i32
    %sub3A_246 = arith.constant 383 : i32
    %sub3A_247 = arith.subi %sub3A_246, %add3A_245 : i32
    %jit3A_248 = arith.constant 8 : i32
    %eq3A_249 = arith.constant 0 : i32
    %eq3A_250 = arith.cmpi eq, %jit3A_248, %eq3A_249 : i32
    %jit3A_251 = arith.constant 1 : i32
    %select_n3A_252 = arith.select %eq3A_250, %jit3A_251, %jit3A_248 : i32
    %rem3A_253 = arith.remsi %sub3A_247, %select_n3A_252 : i32
    %ne3A_254 = arith.constant 0 : i32
    %ne3A_255 = arith.cmpi ne, %rem3A_253, %ne3A_254 : i32
    %lt3A_256 = arith.constant 0 : i32
    %lt3A_257 = arith.cmpi slt, %rem3A_253, %lt3A_256 : i32
    %lt3A_258 = arith.constant 0 : i32
    %lt3A_259 = arith.cmpi slt, %select_n3A_252, %lt3A_258 : i32
    %ne3A_260 = arith.xori %lt3A_257, %lt3A_259 : i1
    %and3A_261 = arith.andi %ne3A_260, %ne3A_255 : i1
    %add3A_262 = arith.addi %rem3A_253, %select_n3A_252 : i32
    %select_n3A_263 = arith.select %and3A_261, %add3A_262, %rem3A_253 : i32
    %sub3A_264 = arith.constant 8 : i32
    %sub3A_265 = arith.subi %sub3A_264, %select_n3A_263 : i32
    %jit3A_266 = arith.constant 8 : i32
    %eq3A_267 = arith.constant 0 : i32
    %eq3A_268 = arith.cmpi eq, %jit3A_266, %eq3A_267 : i32
    %jit3A_269 = arith.constant 1 : i32
    %select_n3A_270 = arith.select %eq3A_268, %jit3A_269, %jit3A_266 : i32
    %rem3A_271 = arith.remsi %sub3A_265, %select_n3A_270 : i32
    %ne3A_272 = arith.constant 0 : i32
    %ne3A_273 = arith.cmpi ne, %rem3A_271, %ne3A_272 : i32
    %lt3A_274 = arith.constant 0 : i32
    %lt3A_275 = arith.cmpi slt, %rem3A_271, %lt3A_274 : i32
    %lt3A_276 = arith.constant 0 : i32
    %lt3A_277 = arith.cmpi slt, %select_n3A_270, %lt3A_276 : i32
    %ne3A_278 = arith.xori %lt3A_275, %lt3A_277 : i1
    %and3A_279 = arith.andi %ne3A_278, %ne3A_273 : i1
    %add3A_280 = arith.addi %rem3A_271, %select_n3A_270 : i32
    %select_n3A_281 = arith.select %and3A_279, %add3A_280, %rem3A_271 : i32
    %add3A_282 = arith.addi %sub3A_247, %select_n3A_281 : i32
    %multiple_of3A_283 = tpu.assume_multiple %add3A_282, 8 : i32
    %get3A_284 = arith.index_cast %select_n3A_281 : i32 to index
    %get3A_285 = arith.index_cast %multiple_of3A_283 : i32 to index
    %get3A_286 = arith.constant 0 : index
    %get3A_287 = vector.load %arg1[%get3A_284, %get3A_285, %get3A_286] : memref<8x776x256xf32, #tpu.memory_space<vmem>>, vector<1x384x256xf32>
    %get3A_288 = vector.shape_cast %get3A_287 : vector<1x384x256xf32> to vector<384x256xf32>
    %swap3A_289 = arith.constant 5 : index
    %swap3A_290 = arith.constant 0 : index
    %swap3A_291 = arith.constant 0 : index
    %swap3A_292 = vector.load %arg2[%swap3A_289, %swap3A_290, %swap3A_291] : memref<8x384x256xf32, #tpu.memory_space<vmem>>, vector<1x384x256xf32>
    %swap3A_293 = vector.shape_cast %swap3A_292 : vector<1x384x256xf32> to vector<384x256xf32>
    %swap3A_294 = vector.shape_cast %get3A_288 : vector<384x256xf32> to vector<1x384x256xf32>
    tpu.vector_store %arg2[%swap3A_289, %swap3A_290, %swap3A_291], %swap3A_294 {strides = array<i32>} : memref<8x384x256xf32, #tpu.memory_space<vmem>>, vector<1x384x256xf32>,
    %add3A_295 = arith.constant 6 : i32
    %add3A_296 = arith.addi %mul3A_0, %add3A_295 : i32
    %sub3A_297 = arith.constant 383 : i32
    %sub3A_298 = arith.subi %sub3A_297, %add3A_296 : i32
    %jit3A_299 = arith.constant 8 : i32
    %eq3A_300 = arith.constant 0 : i32
    %eq3A_301 = arith.cmpi eq, %jit3A_299, %eq3A_300 : i32
    %jit3A_302 = arith.constant 1 : i32
    %select_n3A_303 = arith.select %eq3A_301, %jit3A_302, %jit3A_299 : i32
    %rem3A_304 = arith.remsi %sub3A_298, %select_n3A_303 : i32
    %ne3A_305 = arith.constant 0 : i32
    %ne3A_306 = arith.cmpi ne, %rem3A_304, %ne3A_305 : i32
    %lt3A_307 = arith.constant 0 : i32
    %lt3A_308 = arith.cmpi slt, %rem3A_304, %lt3A_307 : i32
    %lt3A_309 = arith.constant 0 : i32
    %lt3A_310 = arith.cmpi slt, %select_n3A_303, %lt3A_309 : i32
    %ne3A_311 = arith.xori %lt3A_308, %lt3A_310 : i1
    %and3A_312 = arith.andi %ne3A_311, %ne3A_306 : i1
    %add3A_313 = arith.addi %rem3A_304, %select_n3A_303 : i32
    %select_n3A_314 = arith.select %and3A_312, %add3A_313, %rem3A_304 : i32
    %sub3A_315 = arith.constant 8 : i32
    %sub3A_316 = arith.subi %sub3A_315, %select_n3A_314 : i32
    %jit3A_317 = arith.constant 8 : i32
    %eq3A_318 = arith.constant 0 : i32
    %eq3A_319 = arith.cmpi eq, %jit3A_317, %eq3A_318 : i32
    %jit3A_320 = arith.constant 1 : i32
    %select_n3A_321 = arith.select %eq3A_319, %jit3A_320, %jit3A_317 : i32
    %rem3A_322 = arith.remsi %sub3A_316, %select_n3A_321 : i32
    %ne3A_323 = arith.constant 0 : i32
    %ne3A_324 = arith.cmpi ne, %rem3A_322, %ne3A_323 : i32
    %lt3A_325 = arith.constant 0 : i32
    %lt3A_326 = arith.cmpi slt, %rem3A_322, %lt3A_325 : i32
    %lt3A_327 = arith.constant 0 : i32
    %lt3A_328 = arith.cmpi slt, %select_n3A_321, %lt3A_327 : i32
    %ne3A_329 = arith.xori %lt3A_326, %lt3A_328 : i1
    %and3A_330 = arith.andi %ne3A_329, %ne3A_324 : i1
    %add3A_331 = arith.addi %rem3A_322, %select_n3A_321 : i32
    %select_n3A_332 = arith.select %and3A_330, %add3A_331, %rem3A_322 : i32
    %add3A_333 = arith.addi %sub3A_298, %select_n3A_332 : i32
    %multiple_of3A_334 = tpu.assume_multiple %add3A_333, 8 : i32
    %get3A_335 = arith.index_cast %select_n3A_332 : i32 to index
    %get3A_336 = arith.index_cast %multiple_of3A_334 : i32 to index
    %get3A_337 = arith.constant 0 : index
    %get3A_338 = vector.load %arg1[%get3A_335, %get3A_336, %get3A_337] : memref<8x776x256xf32, #tpu.memory_space<vmem>>, vector<1x384x256xf32>
    %get3A_339 = vector.shape_cast %get3A_338 : vector<1x384x256xf32> to vector<384x256xf32>
    %swap3A_340 = arith.constant 6 : index
    %swap3A_341 = arith.constant 0 : index
    %swap3A_342 = arith.constant 0 : index
    %swap3A_343 = vector.load %arg2[%swap3A_340, %swap3A_341, %swap3A_342] : memref<8x384x256xf32, #tpu.memory_space<vmem>>, vector<1x384x256xf32>
    %swap3A_344 = vector.shape_cast %swap3A_343 : vector<1x384x256xf32> to vector<384x256xf32>
    %swap3A_345 = vector.shape_cast %get3A_339 : vector<384x256xf32> to vector<1x384x256xf32>
    tpu.vector_store %arg2[%swap3A_340, %swap3A_341, %swap3A_342], %swap3A_345 {strides = array<i32>} : memref<8x384x256xf32, #tpu.memory_space<vmem>>, vector<1x384x256xf32>,
    %add3A_346 = arith.constant 7 : i32
    %add3A_347 = arith.addi %mul3A_0, %add3A_346 : i32
    %sub3A_348 = arith.constant 383 : i32
    %sub3A_349 = arith.subi %sub3A_348, %add3A_347 : i32
    %jit3A_350 = arith.constant 8 : i32
    %eq3A_351 = arith.constant 0 : i32
    %eq3A_352 = arith.cmpi eq, %jit3A_350, %eq3A_351 : i32
    %jit3A_353 = arith.constant 1 : i32
    %select_n3A_354 = arith.select %eq3A_352, %jit3A_353, %jit3A_350 : i32
    %rem3A_355 = arith.remsi %sub3A_349, %select_n3A_354 : i32
    %ne3A_356 = arith.constant 0 : i32
    %ne3A_357 = arith.cmpi ne, %rem3A_355, %ne3A_356 : i32
    %lt3A_358 = arith.constant 0 : i32
    %lt3A_359 = arith.cmpi slt, %rem3A_355, %lt3A_358 : i32
    %lt3A_360 = arith.constant 0 : i32
    %lt3A_361 = arith.cmpi slt, %select_n3A_354, %lt3A_360 : i32
    %ne3A_362 = arith.xori %lt3A_359, %lt3A_361 : i1
    %and3A_363 = arith.andi %ne3A_362, %ne3A_357 : i1
    %add3A_364 = arith.addi %rem3A_355, %select_n3A_354 : i32
    %select_n3A_365 = arith.select %and3A_363, %add3A_364, %rem3A_355 : i32
    %sub3A_366 = arith.constant 8 : i32
    %sub3A_367 = arith.subi %sub3A_366, %select_n3A_365 : i32
    %jit3A_368 = arith.constant 8 : i32
    %eq3A_369 = arith.constant 0 : i32
    %eq3A_370 = arith.cmpi eq, %jit3A_368, %eq3A_369 : i32
    %jit3A_371 = arith.constant 1 : i32
    %select_n3A_372 = arith.select %eq3A_370, %jit3A_371, %jit3A_368 : i32
    %rem3A_373 = arith.remsi %sub3A_367, %select_n3A_372 : i32
    %ne3A_374 = arith.constant 0 : i32
    %ne3A_375 = arith.cmpi ne, %rem3A_373, %ne3A_374 : i32
    %lt3A_376 = arith.constant 0 : i32
    %lt3A_377 = arith.cmpi slt, %rem3A_373, %lt3A_376 : i32
    %lt3A_378 = arith.constant 0 : i32
    %lt3A_379 = arith.cmpi slt, %select_n3A_372, %lt3A_378 : i32
    %ne3A_380 = arith.xori %lt3A_377, %lt3A_379 : i1
    %and3A_381 = arith.andi %ne3A_380, %ne3A_375 : i1
    %add3A_382 = arith.addi %rem3A_373, %select_n3A_372 : i32
    %select_n3A_383 = arith.select %and3A_381, %add3A_382, %rem3A_373 : i32
    %add3A_384 = arith.addi %sub3A_349, %select_n3A_383 : i32
    %multiple_of3A_385 = tpu.assume_multiple %add3A_384, 8 : i32
    %get3A_386 = arith.index_cast %select_n3A_383 : i32 to index
    %get3A_387 = arith.index_cast %multiple_of3A_385 : i32 to index
    %get3A_388 = arith.constant 0 : index
    %get3A_389 = vector.load %arg1[%get3A_386, %get3A_387, %get3A_388] : memref<8x776x256xf32, #tpu.memory_space<vmem>>, vector<1x384x256xf32>
    %get3A_390 = vector.shape_cast %get3A_389 : vector<1x384x256xf32> to vector<384x256xf32>
    %swap3A_391 = arith.constant 7 : index
    %swap3A_392 = arith.constant 0 : index
    %swap3A_393 = arith.constant 0 : index
    %swap3A_394 = vector.load %arg2[%swap3A_391, %swap3A_392, %swap3A_393] : memref<8x384x256xf32, #tpu.memory_space<vmem>>, vector<1x384x256xf32>
    %swap3A_395 = vector.shape_cast %swap3A_394 : vector<1x384x256xf32> to vector<384x256xf32>
    %swap3A_396 = vector.shape_cast %get3A_390 : vector<384x256xf32> to vector<1x384x256xf32>
    tpu.vector_store %arg2[%swap3A_391, %swap3A_392, %swap3A_393], %swap3A_396 {strides = array<i32>} : memref<8x384x256xf32, #tpu.memory_space<vmem>>, vector<1x384x256xf32>,
    return
  }
  func.func @transform_0(%arg0: i32) -> (i32, i32, i32) {
    %c0_i32 = arith.constant 0 : i32
    %c0_i32_0 = arith.constant 0 : i32
    %c0_i32_1 = arith.constant 0 : i32
    %c0_i32_2 = arith.constant 0 : i32
    return %c0_i32, %c0_i32_0, %c0_i32_1 : i32, i32, i32
  }
  func.func @transform_1(%arg0: i32) -> (i32, i32, i32) {
    %c0_i32 = arith.constant 0 : i32
    %c0_i32_0 = arith.constant 0 : i32
    %c0_i32_1 = arith.constant 0 : i32
    return %arg0, %c0_i32, %c0_i32_0 : i32, i32, i32
  }
}

</mosaic_0001>

<sc_bundles>
// kernel: kernel.5.cloned.1.call-start
scs
__scs_entry_jumppad:
0x0: {  	(pc) =	sbr.rel $0x88, $3  }
0x1: {  	(tag) =	ssettag $0x0;
	lr =	simm.s32 $0x1  }
0x2: {  	[smem:$0x3F9F] =	sst lr;
	_ =	strace $0xD0000000  }
0x3: {  	_ = 	snop  }
0x4: {  	_ = 	snop  }
0x5: {  	_ = 	snop  }
0x6: {  	_ = 	snop  }
0x7: {  	_ = 	snop  }
__scs_overlays_trampoline_lowered:
0x8: {  	[smem:$0x3FAE] =	sst s0  }
0x9: {  	[smem:$0x3FAF] =	sst s1  }
0xa: {  	[smem:$0x3FB0] =	sst s2  }
0xb: {  	[smem:$0x3FB1] =	sst s3  }
0xc: {  	[smem:$0x3FB2] =	sst s4  }
0xd: {  	[smem:$0x3FB3] =	sst s5  }
0xe: {  	[smem:$0x3FB4] =	sst s6  }
0xf: {  	[smem:$0x3FB5] =	sst s7  }
0x10: {  	[smem:$0x3FB6] =	sst s8  }
0x11: {  	[smem:$0x3FB7] =	sst s9;
	s0 =	simm.s32 @!p0 $0x0  }
0x12: {  	s1 =	sld [smem:$0x3F9D];
	s0 =	simm.s32 @p0 $0x1  }
0x13: {  	[smem:$0x3FB8] =	sst s0;
	s0 =	simm.s32 @!p1 $0x0  }
0x14: {  	s2 =	sld [smem:$0x3F9C];
	s0 =	simm.s32 @p1 $0x1  }
0x15: {  	[smem:$0x3FB9] =	sst s0;
	s0 =	simm.s32 @!p2 $0x0  }
0x16: {  	s3 =	sld [smem:$0x3FDB];
	s0 =	simm.s32 @p2 $0x1  }
0x17: {  	s4 =	simm.s32 $0x1BF5;
	[smem:$0x3FBB] =	sst s0  }
0x18: {  	s0 =	sld [smem:$0x3F9E];
	_ =	swait.ge [sflag:s4], $0x0  }
0x19: {  	s7 =	sld [smem:$0x3F9F]  }
0x1a: {  	s8 =	sadd.s32 $0xFFFFE003, lr  }
0x1b: {  	s9 =	sadd.s32 $0xFFFFFEF7, lr;
	s5 =	simm.s32 $0xFFFFFFFF;
	p2 =	slt.u32 s8, $0xFFFFF086  }
0x1c: {  	p1 =	slt.u32 s9, $0xF7A;
	s5 =	simm.s32 @!p2 $0x0  }
0x1d: {  	s5 =	simm.s32 @p1 $0x1;
	p0 =	seq.s32 s7, s2  }
0x1e: {  	s7 =	smul.u32 @!p0 $0xF7A, s2;
	p2 =	seq.s32 @!p0 s5, $0x0  }
0x1f: {  	s9 =	smul.u32 $0xF7A, s1;
	s8 =	simm.s32 @!p0 $0x1BF5;
	p2 =	por !p2, p0  }
0x20: {  	[sflag:s8] =	ssyncset.s32 @!p0 $0xFFFFF086;
	s6 =	sadd.s32 @!p0 s3, s7;
	s7 =	simm.s32 @!p0 $0x108  }
0x21: {  	s3 =	sadd.s32 s3, s9;
	s6 =	sadd.s32 @!p0 $0x88, s6;
	s7 =	simm.s32 @p2 $0x1082  }
0x22: {  	[simem:s7], [sflag:s8] =	dma.local @!p0 [hbm:s6], $0xF7A  }
0x23: {  	s9 =	sor.u32 $0xD0000000, s2;
	s6 =	simm.s32 $0x108;
	_ =	swait.ge @!p0 [sflag:s8], $0x0  }
0x24: {  	s3 =	sadd.s32 $0x88, s3;
	s6 =	simm.s32 @!p1 $0x1082;
	[sflag:s4] =	ssyncset.s32 $0xFFFFF086  }
0x25: {  	[simem:s6], [sflag:s4] =	dma.local [hbm:s3], $0xF7A  }
0x26: {  	[smem:$0x3F9F] =	sst s1;
	(tag) =	ssettag s2;
	_ =	strace s9  }
0x27: {  	s1 =	sld [smem:$0x3FAF]  }
0x28: {  	s2 =	sld [smem:$0x3FB0]  }
0x29: {  	s4 =	sld [smem:$0x3FB2]  }
0x2a: {  	p0 =	seq.s32 s5, $0x0;
	s5 =	sld [smem:$0x3FB3]  }
0x2b: {  	s6 =	sld [smem:$0x3FB4]  }
0x2c: {  	s7 =	sld [smem:$0x3FB5]  }
0x2d: {  	s3 =	simm.s32 $0x108;
	s8 =	sld [smem:$0x3FB6]  }
0x2e: {  	s3 =	simm.s32 @!p0 $0x1082;
	s9 =	sld [smem:$0x3FB7]  }
0x2f: {  	lr =	sadd.s32 s0, s3;
	s0 =	sld [smem:$0x3FAE]  }
0x30: {  	s3 =	sld [smem:$0x3FB1]  }
0x31: {  	[smem:$0x3FBA] =	sst s10  }
0x32: {  	s10 =	sld [smem:$0x3FB8];
	_ =	sdelay $0x3  }
0x33: {  	p0 =	seq.s32 s10, $0x1;
	s10 =	sld [smem:$0x3FBA];
	_ =	sdelay $0x3  }
0x34: {  	[smem:$0x3FBA] =	sst s10  }
0x35: {  	s10 =	sld [smem:$0x3FB9];
	_ =	sdelay $0x3  }
0x36: {  	p1 =	seq.s32 s10, $0x1;
	s10 =	sld [smem:$0x3FBA];
	_ =	sdelay $0x3  }
0x37: {  	[smem:$0x3FBA] =	sst s10  }
0x38: {  	s10 =	sld [smem:$0x3FBB]  }
0x39: {  	_ = 	snop;
	(pc) =	sbr.ind lr, $3  }
0x3a: {  	_ = 	snop  }
0x3b: {  	_ = 	snop  }
0x3c: {  	p2 =	seq.s32 s10, $0x1;
	s10 =	sld [smem:$0x3FBA]  }
0x3d: {  	_ =	shalt  }
0x3e: {  	_ =	shalt  }
0x3f: {  	_ =	shalt  }
0x40: {  	_ =	shalt  }
0x41: {  	_ =	shalt  }
0x42: {  	_ =	shalt  }
0x43: {  	_ =	shalt  }
0x44: {  	_ =	shalt  }
0x45: {  	_ =	shalt  }
0x46: {  	_ =	shalt  }
0x47: {  	_ =	shalt  }
0x48: {  	_ =	shalt  }
0x49: {  	_ =	shalt  }
0x4a: {  	_ =	shalt  }
0x4b: {  	_ =	shalt  }
0x4c: {  	_ =	shalt  }
0x4d: {  	_ =	shalt  }
0x4e: {  	_ =	shalt  }
0x4f: {  	_ =	shalt  }
0x50: {  	_ =	shalt  }
0x51: {  	_ =	shalt  }
0x52: {  	_ =	shalt  }
0x53: {  	_ =	shalt  }
0x54: {  	_ =	shalt  }
0x55: {  	_ =	shalt  }
0x56: {  	_ =	shalt  }
0x57: {  	_ =	shalt  }
0x58: {  	_ =	shalt  }
0x59: {  	_ =	shalt  }
0x5a: {  	_ =	shalt  }
0x5b: {  	_ =	shalt  }
0x5c: {  	_ =	shalt  }
0x5d: {  	_ =	shalt  }
0x5e: {  	_ =	shalt  }
0x5f: {  	_ =	shalt  }
0x60: {  	_ =	shalt  }
0x61: {  	_ =	shalt  }
0x62: {  	_ =	shalt  }
0x63: {  	_ =	shalt  }
0x64: {  	_ =	shalt  }
0x65: {  	_ =	shalt  }
0x66: {  	_ =	shalt  }
0x67: {  	_ =	shalt  }
0x68: {  	_ =	shalt  }
0x69: {  	_ =	shalt  }
0x6a: {  	_ =	shalt  }
0x6b: {  	_ =	shalt  }
0x6c: {  	_ =	shalt  }
0x6d: {  	_ =	shalt  }
0x6e: {  	_ =	shalt  }
0x6f: {  	_ =	shalt  }
0x70: {  	_ =	shalt  }
0x71: {  	_ =	shalt  }
0x72: {  	_ =	shalt  }
0x73: {  	_ =	shalt  }
0x74: {  	_ =	shalt  }
0x75: {  	_ =	shalt  }
0x76: {  	_ =	shalt  }
0x77: {  	_ =	shalt  }
0x78: {  	_ =	shalt  }
0x79: {  	_ =	shalt  }
0x7a: {  	_ =	shalt  }
0x7b: {  	_ =	shalt  }
0x7c: {  	_ =	shalt  }
0x7d: {  	_ =	shalt  }
0x7e: {  	_ =	shalt  }
0x7f: {  	_ =	shalt  }
0x80: {  	_ =	shalt  }
0x81: {  	_ =	shalt  }
0x82: {  	_ =	shalt  }
0x83: {  	_ =	shalt  }
0x84: {  	_ =	shalt  }
0x85: {  	_ =	shalt  }
0x86: {  	_ =	shalt  }
0x87: {  	_ =	shalt  }
.Lfunc_end0:
.L_simem_size_0:
called_computation_lowered:
.L_overlay_start_0:
0x88: {  	s2 =	sld [smem:$0x3FD9]  }
0x89: {  	s3 =	sld [smem:$0x3FFE];
	_ =	sdelay $0x1  }
0x8a: {  	s1 =	srdreg.scid  }
0x8b: {  	s0 =	sand.u32 $0x1, s1  }
0x8c: {  	s17 =	sshll.u32 s0, $0xA;
	s2 =	sadd.s32 s3, s2  }
0x8d: {  	s2 =	sadd.s32 s2, s17  }
0x8e: {  	[smem:$0x3FC6] =	sst s2  }
0x8f: {  	_ = 	snop  }
0x90: {  	s2 =	sld [smem:$0x3FD0];
	(tm) =	ssettm $0x1  }
0x91: {  	s18 =	sld [smem:$0x3FFB];
	_ =	sdelay $0x3  }
0x92: {  	_ =	strace s18  }
0x93: {  	s3 =	sld [smem:$0x3FFC];
	_ =	sdelay $0x3  }
0x94: {  	_ =	strace s3  }
0x95: {  	s3 =	sld [smem:$0x3FFD];
	_ =	sdelay $0x3  }
0x96: {  	_ =	strace s3  }
0x97: {  	_ =	strace $0x8FFFFFFF  }
0x98: {  	s19 =	sld [smem:$0x3FDB];
	_ =	sdelay $0x1  }
0x99: {  	s4 =	simm.s32 $_scs_section_size  }
0x9a: {  	s5 =	simm.s32 $_size__tile_overlayer_lowered;
	s6 =	simm.s32 $_tile_overlayer_lowered  }
0x9b: {  	s22 =	simm.s32 $0x1BFF;
	s21 =	sshll.u32 s6, $0x1;
	s3 =	sadd.s32 s4, s19  }
0x9c: {  	s7 =	simm.s32 $0x0;
	s20 =	sshll.u32 s5, $0x1;
	s5 =	sadd.s32 s21, s3  }
0x9d: {  	[timem:s7], [sflag:s22] =	dma.local [hbm:s5], s20  }
0x9e: {  	_ =	swait.ge [sflag:s22], s20  }
0x9f: {  	s4 =	ssub.s32 $0x0, s20;
	[sflag:s22] =	ssyncset.done $0x0  }
0xa0: {  	[sflag:s22] =	ssyncadd.s32 s4;
	_ =	sdelay $0x1  }
0xa1: {  	s23 =	simm.s32 $0x1B8B  }
0xa2: {  	_ =	swait.ge [sflag:s23], $0x1  }
0xa3: {  	[sflag:s23] =	ssyncset.done $0x0  }
0xa4: {  	s25 =	simm.s32 $0x1B8E;
	s24 =	sld [smem:$0x3FFE];
	[sflag:s23] =	ssyncadd.s32 $0xFFFFFFFF  }
0xa5: {  	s26 =	simm.s32 $execute0_lowered;
	[smem:$0x3FD2] =	sst s25  }
0xa6: {  	s5 =	sshll.u32 s26, $0x1;
	_ =	strace $0x80000046;
	[dreg:$0x1] =	wrdreg $0xFFFFFFFF  }
0xa7: {  	s28 =	simm.s32 $_size_execute0_lowered;
	s3 =	sadd.s32 s3, s5;
	[dreg:$0x0] =	wrdreg $0x0  }
0xa8: {  	s5 =	sshll.u32 s28, $0x1;
	[dreg:$0x2] =	wrdreg s3  }
0xa9: {  	[dreg:$0x3] =	wrdreg s5  }
0xaa: {  	[dreg:$0x4] =	wrdreg $0xC0  }
0xab: {  	_ =	task [dreg:s7], $0x5FFFF  }
0xac: {  	[dreg:$0x1] =	wrdreg $0xFFFFFFFF  }
0xad: {  	[dreg:$0x0] =	wrdreg $0x60  }
0xae: {  	[dreg:$0x2] =	wrdreg s24  }
0xaf: {  	[dreg:$0x3] =	wrdreg s2  }
0xb0: {  	[dreg:$0x4] =	wrdreg $0x0  }
0xb1: {  	[dreg:$0x5] =	wrdreg $0x9  }
0xb2: {  	_ =	task.clear_ibuf [dreg:s7], $0x6FFFF;
	_ =	strace $0x90000046  }
0xb3: {  	s29 =	simm.s32 $0x9;
	_ =	strace $0x80000048  }
0xb4: {  	_ =	swait.ge [sflag:s29], $0x1  }
0xb5: {  	[sflag:s29] =	ssyncadd.s32 $0xFFFFFFFF  }
0xb6: {  	_ =	strace $0x90000048  }
0xb7: {  	_ =	sfence  }
0xb8: {  	s30 =	sld [smem:$0x0];
	_ =	sdelay $0x2  }
0xb9: {  	s31 =	sshll.u32 s1, $0xD;
	s1 =	sshrl.u32 s1, $0x2  }
0xba: {  	s3 =	sand.u32 $0x4000, s31;
	s1 =	sadd.s32 s1, s30  }
0xbb: {  	s0 =	sor.u32 s3, s0;
	s1 =	sshll.u32 s1, $0x11  }
0xbc: {  	s0 =	sor.u32 s1, s0  }
0xbd: {  	s0 =	sadd.s32 $0x8F2B, s0  }
0xbe: {  	[sflag:s0] =	ssyncadd.remote.s32 $0x1  }
0xbf: {  	_ =	sfence.sel $0xFFFF  }
0xc0: {  	[dreg:$0x0] =	wrdreg $0xFFFFFFFF;
	(pc) =	sbr.abs _section_cstart, $3  }
0xc1: {  	[dreg:$0x1] =	wrdreg $0xFFFFFFFF  }
0xc2: {  	_ =	task.clear_ibuf [dreg:s7], $0x2FFFF;
	_ =	strace $0x9FFFFFFF  }
0xc3: {  	(tm) =	ssettm $0x7FFFFFFF  }
tec
execute0_lowered:
.L_overlay_start_1:
0x0: {  	(tag) =	ssettag $0x1  }
0x1: {  	s2 =	rddreg [dreg:$0x0]  }
0x2: {  	s4 =	rddreg [dreg:$0x1]  }
0x3: {  	s5 =	rddreg [dreg:$0x2]  }
0x4: {  	s0 =	rddreg [dreg:$0x3];
	s1 =	stileid.u32;
	s3 =	simm.s32 $0x0  }
0x5: {  	s22 =	srdreg.scid;
	s6 =	sshrl.u32 s1, $0x1;
	s7 =	sand.u32 $0x1, s1  }
0x6: {  	[smem:$0x7FF] =	sst s3;
	s9 =	sshll.u32 s1, $0x1;
	s29 =	sshll.u32 s1, $0x6  }
0x7: {  	s8 =	smul.u32 $0x30800, s6;
	p0 =	seq.s32 s7, $0x1;
	s7 =	simm.s32 $0xC800  }
0x8: {  	_ =	strace $0x80000047;
	s6 =	smul.u32 $0x66000, s6;
	s7 =	simm.s32 @!p0 $0x0  }
0x9: {  	p0 =	sgt.u32 s1, $0x7;
	s21 =	sadd.s32 s7, s8;
	s8 =	sand.u32 $0x1, s22  }
0xa: {  	s6 =	sshrl.u32 s6, $0x2;
	s3 =	sshrl.u32 s21, $0x3;
	s23 =	ssub.s32 $0x2, s8  }
0xb: {  	s8 =	sor.u32 s8, s9;
	s25 =	sadd.s32 s6, s5;
	s2 =	sadd.s32 s3, s2  }
0xc: {  	s10 =	sshrl.u32 s23, $0x1;
	s26 =	sadd.s32 $0x1, s8;
	s7 =	sadd.s32 s7, s25  }
0xd: {  	s28 =	smul.u32 $0x18000, s8;
	s3 =	sor.u32 $0x1C02, s29;
	s6 =	sand.u32 $0x7, s26  }
0xe: {  	s24 =	ssub.s32 s23, s10;
	s2 =	sadd.s32 $0x800, s2;
	s8 =	ssub.s32 s6, s8  }
0xf: {  	s11 =	sshrl.u32 s28, $0x3;
	s6 =	smul.u32 $0x66000, s6;
	s31 =	smax.u32 s24, $0x1  }
0x10: {  	s8 =	sshll.u32 s8, $0x8;
	s4 =	sadd.s32 s4, s11;
	s10 =	sadd.s32 $0xFFFFFFFF, s31  }
0x11: {  	s8 =	sadd.s32 $0xF00, s8;
	s4 =	sadd.s32 $0x450000, s4;
	s6 =	sshrl.u32 s6, $0x2  }
0x12: {  	s30 =	sadd.s32 s6, s5;
	s5 =	sshrl.u32 s7, $0x3;
	s6 =	simm.s32 $0x2  }
0x13: {  	[spmem:s5], [sflag:s3] =	dma.local [hbm:s2], $0x1A00  }
0x14: {  	p1 =	sne.s32 s10, $0x0;
	s8 =	sand.u32 $0xFFFFF800, s8;
	_ =	swait.ge [sflag:s6], $0x1A00  }
0x15: {  	s7 =	sshll.u32 @!p0 s1, $0x6;
	s8 =	sadd.s32 s8, s30;
	[sflag:s6] =	ssyncset.done $0x0  }
.Ltmp0:
0x16: {  	s7 =	sor.u32 @!p0 $0x1C01, s7;
	[sflag:s6] =	ssyncadd.s32 $0xFFFFE600;
	(pc) =	sbr.rel @!p1 .LBB2_2-.Ltmp0, $4  }
0x17: {  	s9 =	sshrl.u32 @!p0 s8, $0x3;
	s8 =	simm.s32 @!p0 $0x1;
	[bflag:$0x0] =	sbarrier.arrive $0xFFFF  }
0x18: {  	[hbm:s4], [sflag:s7] =	dma.local @!p0 [spmem:s9], $0x3000  }
0x19: {  	_ =	swait.ge @!p0 [sflag:s8], $0x3000  }
0x1a: {  	[sflag:s8] =	ssyncset.done @!p0 $0x0  }
.LBB2_1:
0x1b: {  	s10 =	sadd.s32 $0xFFFFFFFF, s10;
	[sflag:s8] =	ssyncadd.s32 @!p0 $0xFFFFD000  }
0x1c: {  	[spmem:s5], [sflag:s3] =	dma.local [hbm:s2], $0x1A00  }
0x1d: {  	p1 =	sne.s32 s10, $0x0;
	_ =	swait.ge [sflag:s6], $0x1A00  }
0x1e: {  	[sflag:s6] =	ssyncset.done $0x0  }
.Ltmp1:
0x1f: {  	[sflag:s6] =	ssyncadd.s32 $0xFFFFE600;
	(pc) =	sbr.rel @p1 .LBB2_1-.Ltmp1, $4  }
0x20: {  	[bflag:$0x0] =	sbarrier.arrive $0xFFFF  }
0x21: {  	[hbm:s4], [sflag:s7] =	dma.local @!p0 [spmem:s9], $0x3000  }
0x22: {  	_ =	swait.ge @!p0 [sflag:s8], $0x3000  }
0x23: {  	[sflag:s8] =	ssyncset.done @!p0 $0x0  }
.LBB2_2:
0x24: {  	[sflag:s8] =	ssyncadd.s32 @!p0 $0xFFFFD000  }
0x25: {  	_ =	sfence.sel $0x180000  }
0x26: {  	[bflag:$0x0] =	sbarrier.arrive $0xFFFF  }
0x27: {  	p0 =	sne.s32 s1, $0x0;
	_ =	strace $0x90000047  }
0x28: {  	s0 =	sadd.s32 @!p0 $0x100000, s0;
	[bflag:$0x2] =	sbarrier.arrive $0xFFFF  }
0x29: {  	[sflag:s0] =	ssyncadd.tile.s32 @!p0 $0x1;
	_ =	shalt  }
.Lfunc_end2:
_tile_overlayer_lowered:
.L_overlay_start_2:
0x2a: {  	(tag) =	ssettag $0x2  }
0x2b: {  	s0 =	rddreg [dreg:$0x0];
	s2 =	stileid.u32  }
0x2c: {  	s1 =	rddreg [dreg:$0x1];
	p0 =	sne.s32 s2, $0x0  }
0x2d: {  	s3 =	rddreg [dreg:$0x2];
	[bflag:$0x3] =	sbarrier.arrive $0xFFFF;
	s2 =	simm.s32 @!p0 $0x1C02  }
0x2e: {  	[timem:s3], [sflag:s2] =	dma.local @!p0 [hbm:s0], s1  }
0x2f: {  	s0 =	simm.s32 @!p0 $0x2  }
0x30: {  	_ =	swait.ge @!p0 [sflag:s0], s1  }
0x31: {  	s1 =	ssub.s32 @!p0 $0x0, s1;
	[sflag:s0] =	ssyncset.done @!p0 $0x0  }
0x32: {  	[sflag:s0] =	ssyncadd.s32 @!p0 s1  }
0x33: {  	[bflag:$0x3] =	sbarrier.arrive $0xFFFF  }
0x34: {  	_ =	shalt  }

</sc_bundles>
